<compile_context>
chip_gen: v7x
topology: tpu7x:2x2x1
jax: 0.10.2.dev20260603
libtpu: 0.0.44.dev20260713+nightly
codegen_flags: <defaults>
</compile_context>

<pallas_src>
import jax
import jax.numpy as jnp
from jax import lax
from jax.experimental import pallas as pl
from jax.experimental.pallas import tpu as pltpu
from jax.experimental.pallas import tpu_sc as plsc

DIM = 64
VOCAB = 1000000
BATCH = 4096
HIST = 50

L = 16
NW = 32
TOTAL = BATCH * HIST
CHUNK = 128
IDX_ROWS = TOTAL // CHUNK
ROWS_PER_W = IDX_ROWS // NW


def _body(idx_hbm, kern_hbm, table_hbm, out_hbm,
          idx_v, idxp_v, gat_v, kern_v, gsem):
    wid = lax.axis_index("s") * 2 + lax.axis_index("c")
    pltpu.sync_copy(kern_hbm, kern_v)
    lanes = lax.iota(jnp.int32, L)

    def step(m, carry):
        r = wid * ROWS_PER_W + m
        pltpu.sync_copy(idx_hbm.at[r], idx_v)

        def adj(g, c):
            v = idx_v[pl.ds(g * L, L)]
            idxp_v[pl.ds(g * L, L)] = lax.shift_left(
                jnp.maximum(v - 2, 0), 1)
            return c
        lax.fori_loop(0, CHUNK // L, adj, 0)

        pltpu.async_copy(table_hbm.at[idxp_v], gat_v, gsem).wait()

        def patch(g, c):
            v = idx_v[pl.ds(g * L, L)]

            @pl.when(jnp.any(v < 2))
            def _patch():
                msk = v < 2
                cidx = jnp.minimum(v, 1)
                rows = g * L + lanes

                def col(d, cc):
                    dv = jnp.full((L,), 0, jnp.int32) + d
                    ve = plsc.load_gather(kern_v, (cidx, dv))
                    plsc.store_scatter(gat_v, (rows, dv), ve, mask=msk)
                    return cc
                lax.fori_loop(0, DIM, col, 0)
            return c
        lax.fori_loop(0, CHUNK // L, patch, 0)

        pltpu.sync_copy(gat_v, out_hbm.at[pl.ds(r * CHUNK, CHUNK)])
        return carry
    lax.fori_loop(0, ROWS_PER_W, step, 0)


@jax.jit
def kernel(inputs, kernel, priori):
    idx = inputs.reshape(-1).astype(jnp.int32).reshape(IDX_ROWS, CHUNK)
    table = jnp.pad(priori, ((0, 0), (0, DIM))).reshape(2 * VOCAB, DIM)
    mesh = plsc.VectorSubcoreMesh(core_axis_name="c", subcore_axis_name="s")
    k = pl.kernel(
        _body,
        out_type=jax.ShapeDtypeStruct((TOTAL, DIM), jnp.float32),
        mesh=mesh,
        compiler_params=pltpu.CompilerParams(
            needs_layout_passes=False, use_tc_tiling_on_sc=False),
        scratch_types=[
            pltpu.VMEM((CHUNK,), jnp.int32),
            pltpu.VMEM((CHUNK,), jnp.int32),
            pltpu.VMEM((CHUNK, DIM), jnp.float32),
            pltpu.VMEM((2, DIM), jnp.float32),
            pltpu.SemaphoreType.DMA,
        ],
    )
    out = k(idx, kernel, table)
    return out.reshape(BATCH, HIST, DIM)

# --- scband reference (transcript-rebuilt; emitter-appended) ---
"""Pipeline reference for scband-priori-embedding-1881195675893 (READ-ONLY COPY).

The authoritative reference and input builder live on the scoring server;
editing this copy changes nothing except your own understanding.
"""

import jax, jax.numpy as jnp
import numpy as np

DIM = 64
VOCAB = 1000000  # rows in the pickled priori embedding file
BATCH = 4096
HIST = 50

def setup_inputs(seed: int = 0) -> dict:
    key = jax.random.key(seed)
    k1, k2, k3 = jax.random.split(key, 3)
    inputs = jax.random.randint(k1, (BATCH, HIST), 0, VOCAB + 2, dtype=jnp.int64)
    # learned kernel (2 rows, glorot_uniform-ish)
    limit = np.sqrt(6.0 / (2 + DIM))
    kernel = jax.random.uniform(k2, (2, DIM), minval=-limit, maxval=limit, dtype=jnp.float32)
    # priori embeddings loaded from file in the original module; materialized here
    priori = jax.random.normal(k3, (VOCAB, DIM), dtype=jnp.float32) * 0.02
    return {"inputs": inputs, "kernel": kernel, "priori": priori}

def reference(inputs, kernel, priori):
    idx = inputs.astype(jnp.int32)
    table = jnp.concatenate((kernel, priori), axis=0)  # [VOCAB+2, DIM]
    out = jnp.take(table, idx, axis=0)  # embedding_lookup
    return out

if __name__ == "__main__":
    import jax
    _d = setup_inputs()
    print(jax.jit(kernel)(*tuple(_d.values())))

</pallas_src>

<mosaic_0001>
#map = affine_map<(d0, d1) -> (0, 0)>
module attributes {stable_mosaic.version = 14 : i64} {
  func.func @_body(%arg0: i32, %arg1: i32, %arg2: memref<1600x128xi32, #tpu.memory_space<hbm>>, %arg3: memref<2x64xf32, #tpu.memory_space<hbm>>, %arg4: memref<2000000x64xf32, #tpu.memory_space<hbm>>, %arg5: memref<204800x64xf32, #tpu.memory_space<hbm>>, %arg6: memref<128xi32, #tpu.memory_space<vmem>>, %arg7: memref<128xi32, #tpu.memory_space<vmem>>, %arg8: memref<128x64xf32, #tpu.memory_space<vmem>>, %arg9: memref<2x64xf32, #tpu.memory_space<vmem>>, %arg10: memref<!tpu.dma_semaphore, #tpu.memory_space<semaphore_mem>>) attributes {dimension_semantics = [#tpu.dimension_semantics<core_parallel>, #tpu.dimension_semantics<subcore_parallel>], iteration_bounds = array<i64: 2, 16>, scalar_prefetch = 0 : i64, scratch_operands = 5 : i64, tpu.core_type = #tpu.core_type<sc_vector_subcore>, window_params = [{transform_indices = #map}, {transform_indices = #map}, {transform_indices = #map}, {transform_indices = #map}]} {
    %mul3A = arith.constant 2 : i32
    %mul3A_0 = arith.muli %arg1, %mul3A : i32
    %add3A = arith.addi %mul3A_0, %arg0 : i32
    "tpu.region"() ({
      %run_scoped3A = tpu.sem_alloc : memref<!tpu.dma_semaphore, #tpu.memory_space<semaphore_mem>>
      tpu.enqueue_dma source(%arg3 : memref<2x64xf32, #tpu.memory_space<hbm>>) target(%arg9 : memref<2x64xf32, #tpu.memory_space<vmem>>) target_semaphore(%run_scoped3A : memref<!tpu.dma_semaphore, #tpu.memory_space<semaphore_mem>>)
      tpu.wait_dma2 semaphore(%run_scoped3A : memref<!tpu.dma_semaphore, #tpu.memory_space<semaphore_mem>>) src(%arg3 : memref<2x64xf32, #tpu.memory_space<hbm>>) dst(%arg9 : memref<2x64xf32, #tpu.memory_space<vmem>>)
      tpu.yield
    }) : () -> ()
    %iota3A = tpu.iota {dimensions = array<i32: 0>} : vector<16xi32>
    %scan3A = arith.constant 0 : i32
    %scan3A_1 = arith.constant 0 : i32
    %scan3A_2 = arith.constant 50 : i32
    %scan3A_3 = arith.addi %scan3A_1, %scan3A_2 : i32
    %scan3A_4 = arith.constant 1 : i32
    scf.for %scan3A_6 = %scan3A_1 to %scan3A_3 step %scan3A_4  : i32 {
      %mul3A_7 = arith.constant 50 : i32
      %mul3A_8 = arith.muli %add3A, %mul3A_7 : i32
      %add3A_9 = arith.addi %mul3A_8, %scan3A_6 : i32
      "tpu.region"() ({
        %run_scoped3A = tpu.sem_alloc : memref<!tpu.dma_semaphore, #tpu.memory_space<semaphore_mem>>
        %dma_start3A_28 = arith.constant 0 : i32
        %dma_start3A_29 = tpu.memref_slice %arg2[%add3A_9, %dma_start3A_28] : memref<1600x128xi32, #tpu.memory_space<hbm>> -> memref<1x128xi32, #tpu.memory_space<hbm>>
        %dma_start3A_30 = tpu.memref_squeeze %dma_start3A_29 : memref<1x128xi32, #tpu.memory_space<hbm>> -> memref<128xi32, #tpu.memory_space<hbm>>
        %dma_start3A_31 = arith.constant 0 : i32
        %dma_start3A_32 = tpu.memref_slice %arg2[%add3A_9, %dma_start3A_31] : memref<1600x128xi32, #tpu.memory_space<hbm>> -> memref<1x128xi32, #tpu.memory_space<hbm>>
        %dma_start3A_33 = tpu.memref_squeeze %dma_start3A_32 : memref<1x128xi32, #tpu.memory_space<hbm>> -> memref<128xi32, #tpu.memory_space<hbm>>
        tpu.enqueue_dma source(%dma_start3A_33 : memref<128xi32, #tpu.memory_space<hbm>>) target(%arg6 : memref<128xi32, #tpu.memory_space<vmem>>) target_semaphore(%run_scoped3A : memref<!tpu.dma_semaphore, #tpu.memory_space<semaphore_mem>>)
        %dma_wait3A_34 = arith.constant 0 : i32
        %dma_wait3A_35 = tpu.memref_slice %arg2[%add3A_9, %dma_wait3A_34] : memref<1600x128xi32, #tpu.memory_space<hbm>> -> memref<1x128xi32, #tpu.memory_space<hbm>>
        %dma_wait3A_36 = tpu.memref_squeeze %dma_wait3A_35 : memref<1x128xi32, #tpu.memory_space<hbm>> -> memref<128xi32, #tpu.memory_space<hbm>>
        %dma_wait3A_37 = arith.constant 0 : i32
        %dma_wait3A_38 = tpu.memref_slice %arg2[%add3A_9, %dma_wait3A_37] : memref<1600x128xi32, #tpu.memory_space<hbm>> -> memref<1x128xi32, #tpu.memory_space<hbm>>
        %dma_wait3A_39 = tpu.memref_squeeze %dma_wait3A_38 : memref<1x128xi32, #tpu.memory_space<hbm>> -> memref<128xi32, #tpu.memory_space<hbm>>
        tpu.wait_dma2 semaphore(%run_scoped3A : memref<!tpu.dma_semaphore, #tpu.memory_space<semaphore_mem>>) src(%dma_wait3A_39 : memref<128xi32, #tpu.memory_space<hbm>>) dst(%arg6 : memref<128xi32, #tpu.memory_space<vmem>>)
        tpu.yield
      }) : () -> ()
      %scan3A_10 = arith.constant 0 : i32
      %scan3A_11 = arith.constant 0 : i32
      %scan3A_12 = arith.constant 8 : i32
      %scan3A_13 = arith.addi %scan3A_11, %scan3A_12 : i32
      %scan3A_14 = arith.constant 1 : i32
      scf.for %scan3A_28 = %scan3A_11 to %scan3A_13 step %scan3A_14  : i32 {
        %mul3A_29 = arith.constant 16 : i32
        %mul3A_30 = arith.muli %scan3A_28, %mul3A_29 : i32
        %get3A = arith.index_cast %mul3A_30 : i32 to index
        %get3A_31 = tpu.vector_load %arg6[%get3A] {strides = array<i32>} : memref<128xi32, #tpu.memory_space<vmem>>, vector<16xi32>,
        %sub3A = arith.constant 2 : i32
        %sub3A_32 = vector.broadcast %sub3A : i32 to vector<16xi32>
        %sub3A_33 = arith.subi %get3A_31, %sub3A_32 : vector<16xi32>
        %max3A = arith.constant 0 : i32
        %max3A_34 = vector.broadcast %max3A : i32 to vector<16xi32>
        %max3A_35 = arith.maxsi %sub3A_33, %max3A_34 : vector<16xi32>
        %shift_left3A = arith.constant 1 : i32
        %shift_left3A_36 = vector.broadcast %shift_left3A : i32 to vector<16xi32>
        %shift_left3A_37 = arith.shli %max3A_35, %shift_left3A_36 : vector<16xi32>
        %mul3A_38 = arith.constant 16 : i32
        %mul3A_39 = arith.muli %scan3A_28, %mul3A_38 : i32
        %swap3A = arith.index_cast %mul3A_39 : i32 to index
        %swap3A_40 = tpu.vector_load %arg7[%swap3A] {strides = array<i32>} : memref<128xi32, #tpu.memory_space<vmem>>, vector<16xi32>,
        tpu.vector_store %arg7[%swap3A], %shift_left3A_37 {strides = array<i32>} : memref<128xi32, #tpu.memory_space<vmem>>, vector<16xi32>,
      }
      %scan3A_15 = arith.constant 8 : i32
      %dma_start3A = arith.constant 0 : i32
      %dma_start3A_16 = arith.constant 0 : i32
      %dma_start3A_17 = tpu.memref_slice %arg4[%dma_start3A, %dma_start3A_16] : memref<2000000x64xf32, #tpu.memory_space<hbm>> -> memref<2000000x64xf32, #tpu.memory_space<hbm>>
      tpu.enqueue_indirect_dma source(%dma_start3A_17 : memref<2000000x64xf32, #tpu.memory_space<hbm>>) target(%arg8 : memref<128x64xf32, #tpu.memory_space<vmem>>) offsets(%arg7 : memref<128xi32, #tpu.memory_space<vmem>>) semaphore(%arg10 : memref<!tpu.dma_semaphore, #tpu.memory_space<semaphore_mem>>)
      %dma_wait3A = arith.constant 0 : i32
      %dma_wait3A_18 = arith.constant 0 : i32
      %dma_wait3A_19 = tpu.memref_slice %arg4[%dma_wait3A, %dma_wait3A_18] : memref<2000000x64xf32, #tpu.memory_space<hbm>> -> memref<2000000x64xf32, #tpu.memory_space<hbm>>
      tpu.wait_indirect_dma semaphore(%arg10 : memref<!tpu.dma_semaphore, #tpu.memory_space<semaphore_mem>>) src(%dma_wait3A_19 : memref<2000000x64xf32, #tpu.memory_space<hbm>>) dst(%arg8 : memref<128x64xf32, #tpu.memory_space<vmem>>)
      %scan3A_20 = arith.constant 0 : i32
      %scan3A_21 = arith.constant 0 : i32
      %scan3A_22 = arith.constant 8 : i32
      %scan3A_23 = arith.addi %scan3A_21, %scan3A_22 : i32
      %scan3A_24 = arith.constant 1 : i32
      scf.for %scan3A_28 = %scan3A_21 to %scan3A_23 step %scan3A_24  : i32 {
        %mul3A_29 = arith.constant 16 : i32
        %mul3A_30 = arith.muli %scan3A_28, %mul3A_29 : i32
        %get3A = arith.index_cast %mul3A_30 : i32 to index
        %get3A_31 = tpu.vector_load %arg6[%get3A] {strides = array<i32>} : memref<128xi32, #tpu.memory_space<vmem>>, vector<16xi32>,
        %lt3A = arith.constant 2 : i32
        %lt3A_32 = vector.broadcast %lt3A : i32 to vector<16xi32>
        %lt3A_33 = arith.cmpi slt, %get3A_31, %lt3A_32 : vector<16xi32>
        %reduce_or3A = arith.constant 1.000000e+00 : f32
        %reduce_or3A_34 = arith.constant 0.000000e+00 : f32
        %reduce_or3A_35 = vector.broadcast %reduce_or3A : f32 to vector<16xf32>
        %reduce_or3A_36 = vector.broadcast %reduce_or3A_34 : f32 to vector<16xf32>
        %reduce_or3A_37 = arith.select %lt3A_33, %reduce_or3A_35, %reduce_or3A_36 : vector<16xi1>, vector<16xf32>
        %reduce_or3A_38 = arith.constant true
        %reduce_or3A_39 = vector.broadcast %reduce_or3A_38 : i1 to vector<16xi1>
        %reduce_or3A_40 = tpu.scan <max>, %reduce_or3A_37 masked %reduce_or3A_39 : vector<16xf32>, vector<16xi1> -> vector<16xf32>
        %reduce_or3A_41 = vector.extract %reduce_or3A_40[15] : f32 from vector<16xf32>
        %reduce_or3A_42 = arith.constant 0.000000e+00 : f32
        %reduce_or3A_43 = arith.cmpf ogt, %reduce_or3A_41, %reduce_or3A_42 : f32
        %convert_element_type3A = arith.extui %reduce_or3A_43 : i1 to i32
        %cond3A = arith.constant 0 : i32
        %cond3A_44 = arith.cmpi ne, %convert_element_type3A, %cond3A : i32
        scf.if %cond3A_44 {
          %lt3A_45 = arith.constant 2 : i32
          %lt3A_46 = vector.broadcast %lt3A_45 : i32 to vector<16xi32>
          %lt3A_47 = arith.cmpi slt, %get3A_31, %lt3A_46 : vector<16xi32>
          %min3A = arith.constant 1 : i32
          %min3A_48 = vector.broadcast %min3A : i32 to vector<16xi32>
          %min3A_49 = arith.minsi %get3A_31, %min3A_48 : vector<16xi32>
          %mul3A_50 = arith.constant 16 : i32
          %mul3A_51 = arith.muli %scan3A_28, %mul3A_50 : i32
          %add3A_52 = vector.broadcast %mul3A_51 : i32 to vector<16xi32>
          %add3A_53 = arith.addi %add3A_52, %iota3A : vector<16xi32>
          %scan3A_54 = arith.constant 0 : i32
          %scan3A_55 = arith.constant 0 : i32
          %scan3A_56 = arith.constant 64 : i32
          %scan3A_57 = arith.addi %scan3A_55, %scan3A_56 : i32
          %scan3A_58 = arith.constant 1 : i32
          scf.for %scan3A_60 = %scan3A_55 to %scan3A_57 step %scan3A_58  : i32 {
            %broadcast_in_dim3A = arith.constant 0 : i32
            %broadcast_in_dim3A_61 = vector.broadcast %broadcast_in_dim3A : i32 to vector<16xi32>
            %add3A_62 = vector.broadcast %scan3A_60 : i32 to vector<16xi32>
            %add3A_63 = arith.addi %broadcast_in_dim3A_61, %add3A_62 : vector<16xi32>
            %gather3A = tpu.vector_load_idx %arg9[%min3A_49, %add3A_63] : memref<2x64xf32, #tpu.memory_space<vmem>>[vector<16xi32>, vector<16xi32>], vector<16xf32>,
            tpu.vector_store_idx %arg8[%add3A_53, %add3A_63], %gather3A masked %lt3A_47 : memref<128x64xf32, #tpu.memory_space<vmem>>[vector<16xi32>, vector<16xi32>], vector<16xf32>, vector<16xi1>
          }
          %scan3A_59 = arith.constant 64 : i32
        } else {
        }
      }
      %scan3A_25 = arith.constant 8 : i32
      %mul3A_26 = arith.constant 128 : i32
      %mul3A_27 = arith.muli %add3A_9, %mul3A_26 : i32
      "tpu.region"() ({
        %run_scoped3A = tpu.sem_alloc : memref<!tpu.dma_semaphore, #tpu.memory_space<semaphore_mem>>
        %dma_start3A_28 = arith.constant 0 : i32
        %dma_start3A_29 = tpu.memref_slice %arg5[%mul3A_27, %dma_start3A_28] : memref<204800x64xf32, #tpu.memory_space<hbm>> -> memref<128x64xf32, #tpu.memory_space<hbm>>
        %dma_start3A_30 = arith.constant 0 : i32
        %dma_start3A_31 = tpu.memref_slice %arg5[%mul3A_27, %dma_start3A_30] : memref<204800x64xf32, #tpu.memory_space<hbm>> -> memref<128x64xf32, #tpu.memory_space<hbm>>
        tpu.enqueue_dma source(%arg8 : memref<128x64xf32, #tpu.memory_space<vmem>>) target(%dma_start3A_31 : memref<128x64xf32, #tpu.memory_space<hbm>>) target_semaphore(%run_scoped3A : memref<!tpu.dma_semaphore, #tpu.memory_space<semaphore_mem>>)
        %dma_wait3A_32 = arith.constant 0 : i32
        %dma_wait3A_33 = tpu.memref_slice %arg5[%mul3A_27, %dma_wait3A_32] : memref<204800x64xf32, #tpu.memory_space<hbm>> -> memref<128x64xf32, #tpu.memory_space<hbm>>
        %dma_wait3A_34 = arith.constant 0 : i32
        %dma_wait3A_35 = tpu.memref_slice %arg5[%mul3A_27, %dma_wait3A_34] : memref<204800x64xf32, #tpu.memory_space<hbm>> -> memref<128x64xf32, #tpu.memory_space<hbm>>
        tpu.wait_dma2 semaphore(%run_scoped3A : memref<!tpu.dma_semaphore, #tpu.memory_space<semaphore_mem>>) src(%arg8 : memref<128x64xf32, #tpu.memory_space<vmem>>) dst(%dma_wait3A_35 : memref<128x64xf32, #tpu.memory_space<hbm>>)
        tpu.yield
      }) : () -> ()
    }
    %scan3A_5 = arith.constant 50 : i32
    return
  }
}

</mosaic_0001>

<sc_bundles>
// kernel: kernel.4.cloned.1.call-start
scs
__scs_entry_jumppad:
0x0: {  	(pc) =	sbr.rel $0x88, $3  }
0x1: {  	(tag) =	ssettag $0x0;
	lr =	simm.s32 $0x1  }
0x2: {  	[smem:$0x3F9E] =	sst lr;
	_ =	strace $0xD0000000  }
0x3: {  	_ = 	snop  }
0x4: {  	_ = 	snop  }
0x5: {  	_ = 	snop  }
0x6: {  	_ = 	snop  }
0x7: {  	_ = 	snop  }
__scs_overlays_trampoline_lowered:
0x8: {  	[smem:$0x3FAD] =	sst s0  }
0x9: {  	[smem:$0x3FAE] =	sst s1  }
0xa: {  	[smem:$0x3FAF] =	sst s2  }
0xb: {  	[smem:$0x3FB0] =	sst s3  }
0xc: {  	[smem:$0x3FB1] =	sst s4  }
0xd: {  	[smem:$0x3FB2] =	sst s5  }
0xe: {  	[smem:$0x3FB3] =	sst s6  }
0xf: {  	[smem:$0x3FB4] =	sst s7  }
0x10: {  	[smem:$0x3FB5] =	sst s8  }
0x11: {  	[smem:$0x3FB6] =	sst s9;
	s0 =	simm.s32 @!p0 $0x0  }
0x12: {  	s1 =	sld [smem:$0x3F9C];
	s0 =	simm.s32 @p0 $0x1  }
0x13: {  	[smem:$0x3FB7] =	sst s0;
	s0 =	simm.s32 @!p1 $0x0  }
0x14: {  	s2 =	sld [smem:$0x3F9B];
	s0 =	simm.s32 @p1 $0x1  }
0x15: {  	[smem:$0x3FB8] =	sst s0;
	s0 =	simm.s32 @!p2 $0x0  }
0x16: {  	s3 =	sld [smem:$0x3FDB];
	s0 =	simm.s32 @p2 $0x1  }
0x17: {  	s4 =	simm.s32 $0x1BF5;
	[smem:$0x3FBA] =	sst s0  }
0x18: {  	s0 =	sld [smem:$0x3F9D];
	_ =	swait.ge [sflag:s4], $0x0  }
0x19: {  	s7 =	sld [smem:$0x3F9E]  }
0x1a: {  	s8 =	sadd.s32 $0xFFFFE003, lr  }
0x1b: {  	s9 =	sadd.s32 $0xFFFFFEF7, lr;
	s5 =	simm.s32 $0xFFFFFFFF;
	p2 =	slt.u32 s8, $0xFFFFF086  }
0x1c: {  	p1 =	slt.u32 s9, $0xF7A;
	s5 =	simm.s32 @!p2 $0x0  }
0x1d: {  	s5 =	simm.s32 @p1 $0x1;
	p0 =	seq.s32 s7, s2  }
0x1e: {  	s7 =	smul.u32 @!p0 $0xF7A, s2;
	p2 =	seq.s32 @!p0 s5, $0x0  }
0x1f: {  	s9 =	smul.u32 $0xF7A, s1;
	s8 =	simm.s32 @!p0 $0x1BF5;
	p2 =	por !p2, p0  }
0x20: {  	[sflag:s8] =	ssyncset.s32 @!p0 $0xFFFFF086;
	s6 =	sadd.s32 @!p0 s3, s7;
	s7 =	simm.s32 @!p0 $0x108  }
0x21: {  	s3 =	sadd.s32 s3, s9;
	s6 =	sadd.s32 @!p0 $0x88, s6;
	s7 =	simm.s32 @p2 $0x1082  }
0x22: {  	[simem:s7], [sflag:s8] =	dma.local @!p0 [hbm:s6], $0xF7A  }
0x23: {  	s9 =	sor.u32 $0xD0000000, s2;
	s6 =	simm.s32 $0x108;
	_ =	swait.ge @!p0 [sflag:s8], $0x0  }
0x24: {  	s3 =	sadd.s32 $0x88, s3;
	s6 =	simm.s32 @!p1 $0x1082;
	[sflag:s4] =	ssyncset.s32 $0xFFFFF086  }
0x25: {  	[simem:s6], [sflag:s4] =	dma.local [hbm:s3], $0xF7A  }
0x26: {  	[smem:$0x3F9E] =	sst s1;
	(tag) =	ssettag s2;
	_ =	strace s9  }
0x27: {  	s1 =	sld [smem:$0x3FAE]  }
0x28: {  	s2 =	sld [smem:$0x3FAF]  }
0x29: {  	s4 =	sld [smem:$0x3FB1]  }
0x2a: {  	p0 =	seq.s32 s5, $0x0;
	s5 =	sld [smem:$0x3FB2]  }
0x2b: {  	s6 =	sld [smem:$0x3FB3]  }
0x2c: {  	s7 =	sld [smem:$0x3FB4]  }
0x2d: {  	s3 =	simm.s32 $0x108;
	s8 =	sld [smem:$0x3FB5]  }
0x2e: {  	s3 =	simm.s32 @!p0 $0x1082;
	s9 =	sld [smem:$0x3FB6]  }
0x2f: {  	lr =	sadd.s32 s0, s3;
	s0 =	sld [smem:$0x3FAD]  }
0x30: {  	s3 =	sld [smem:$0x3FB0]  }
0x31: {  	[smem:$0x3FB9] =	sst s10  }
0x32: {  	s10 =	sld [smem:$0x3FB7];
	_ =	sdelay $0x3  }
0x33: {  	p0 =	seq.s32 s10, $0x1;
	s10 =	sld [smem:$0x3FB9];
	_ =	sdelay $0x3  }
0x34: {  	[smem:$0x3FB9] =	sst s10  }
0x35: {  	s10 =	sld [smem:$0x3FB8];
	_ =	sdelay $0x3  }
0x36: {  	p1 =	seq.s32 s10, $0x1;
	s10 =	sld [smem:$0x3FB9];
	_ =	sdelay $0x3  }
0x37: {  	[smem:$0x3FB9] =	sst s10  }
0x38: {  	s10 =	sld [smem:$0x3FBA]  }
0x39: {  	_ = 	snop;
	(pc) =	sbr.ind lr, $3  }
0x3a: {  	_ = 	snop  }
0x3b: {  	_ = 	snop  }
0x3c: {  	p2 =	seq.s32 s10, $0x1;
	s10 =	sld [smem:$0x3FB9]  }
0x3d: {  	_ =	shalt  }
0x3e: {  	_ =	shalt  }
0x3f: {  	_ =	shalt  }
0x40: {  	_ =	shalt  }
0x41: {  	_ =	shalt  }
0x42: {  	_ =	shalt  }
0x43: {  	_ =	shalt  }
0x44: {  	_ =	shalt  }
0x45: {  	_ =	shalt  }
0x46: {  	_ =	shalt  }
0x47: {  	_ =	shalt  }
0x48: {  	_ =	shalt  }
0x49: {  	_ =	shalt  }
0x4a: {  	_ =	shalt  }
0x4b: {  	_ =	shalt  }
0x4c: {  	_ =	shalt  }
0x4d: {  	_ =	shalt  }
0x4e: {  	_ =	shalt  }
0x4f: {  	_ =	shalt  }
0x50: {  	_ =	shalt  }
0x51: {  	_ =	shalt  }
0x52: {  	_ =	shalt  }
0x53: {  	_ =	shalt  }
0x54: {  	_ =	shalt  }
0x55: {  	_ =	shalt  }
0x56: {  	_ =	shalt  }
0x57: {  	_ =	shalt  }
0x58: {  	_ =	shalt  }
0x59: {  	_ =	shalt  }
0x5a: {  	_ =	shalt  }
0x5b: {  	_ =	shalt  }
0x5c: {  	_ =	shalt  }
0x5d: {  	_ =	shalt  }
0x5e: {  	_ =	shalt  }
0x5f: {  	_ =	shalt  }
0x60: {  	_ =	shalt  }
0x61: {  	_ =	shalt  }
0x62: {  	_ =	shalt  }
0x63: {  	_ =	shalt  }
0x64: {  	_ =	shalt  }
0x65: {  	_ =	shalt  }
0x66: {  	_ =	shalt  }
0x67: {  	_ =	shalt  }
0x68: {  	_ =	shalt  }
0x69: {  	_ =	shalt  }
0x6a: {  	_ =	shalt  }
0x6b: {  	_ =	shalt  }
0x6c: {  	_ =	shalt  }
0x6d: {  	_ =	shalt  }
0x6e: {  	_ =	shalt  }
0x6f: {  	_ =	shalt  }
0x70: {  	_ =	shalt  }
0x71: {  	_ =	shalt  }
0x72: {  	_ =	shalt  }
0x73: {  	_ =	shalt  }
0x74: {  	_ =	shalt  }
0x75: {  	_ =	shalt  }
0x76: {  	_ =	shalt  }
0x77: {  	_ =	shalt  }
0x78: {  	_ =	shalt  }
0x79: {  	_ =	shalt  }
0x7a: {  	_ =	shalt  }
0x7b: {  	_ =	shalt  }
0x7c: {  	_ =	shalt  }
0x7d: {  	_ =	shalt  }
0x7e: {  	_ =	shalt  }
0x7f: {  	_ =	shalt  }
0x80: {  	_ =	shalt  }
0x81: {  	_ =	shalt  }
0x82: {  	_ =	shalt  }
0x83: {  	_ =	shalt  }
0x84: {  	_ =	shalt  }
0x85: {  	_ =	shalt  }
0x86: {  	_ =	shalt  }
0x87: {  	_ =	shalt  }
.Lfunc_end0:
.L_simem_size_0:
called_computation.2_lowered:
.L_overlay_start_0:
0x88: {  	s2 =	sld [smem:$0x3FD9]  }
0x89: {  	s3 =	sld [smem:$0x3FFE];
	_ =	sdelay $0x1  }
0x8a: {  	s1 =	srdreg.scid  }
0x8b: {  	s0 =	sand.u32 $0x1, s1  }
0x8c: {  	s17 =	sshll.u32 s0, $0xA;
	s2 =	sadd.s32 s3, s2  }
0x8d: {  	s2 =	sadd.s32 s2, s17  }
0x8e: {  	[smem:$0x3FC5] =	sst s2  }
0x8f: {  	_ = 	snop  }
0x90: {  	s2 =	sld [smem:$0x3FD0];
	(tm) =	ssettm $0x1  }
0x91: {  	s18 =	sld [smem:$0x3FFB];
	_ =	sdelay $0x3  }
0x92: {  	_ =	strace s18  }
0x93: {  	s3 =	sld [smem:$0x3FFC];
	_ =	sdelay $0x3  }
0x94: {  	_ =	strace s3  }
0x95: {  	s3 =	sld [smem:$0x3FFD];
	_ =	sdelay $0x3  }
0x96: {  	_ =	strace s3  }
0x97: {  	_ =	strace $0x8FFFFFFF  }
0x98: {  	s19 =	sld [smem:$0x3FDB];
	_ =	sdelay $0x1  }
0x99: {  	s4 =	simm.s32 $_scs_section_size  }
0x9a: {  	s5 =	simm.s32 $_size__tile_overlayer_lowered;
	s6 =	simm.s32 $_tile_overlayer_lowered  }
0x9b: {  	s22 =	simm.s32 $0x1BFF;
	s21 =	sshll.u32 s6, $0x1;
	s3 =	sadd.s32 s4, s19  }
0x9c: {  	s7 =	simm.s32 $0x0;
	s20 =	sshll.u32 s5, $0x1;
	s5 =	sadd.s32 s21, s3  }
0x9d: {  	[timem:s7], [sflag:s22] =	dma.local [hbm:s5], s20  }
0x9e: {  	_ =	swait.ge [sflag:s22], s20  }
0x9f: {  	s4 =	ssub.s32 $0x0, s20;
	[sflag:s22] =	ssyncset.done $0x0  }
0xa0: {  	[sflag:s22] =	ssyncadd.s32 s4;
	_ =	sdelay $0x1  }
0xa1: {  	s23 =	simm.s32 $0x1B8B  }
0xa2: {  	_ =	swait.ge [sflag:s23], $0x1  }
0xa3: {  	[sflag:s23] =	ssyncset.done $0x0  }
0xa4: {  	s25 =	simm.s32 $0x1B8E;
	s24 =	sld [smem:$0x3FFE];
	[sflag:s23] =	ssyncadd.s32 $0xFFFFFFFF  }
0xa5: {  	s26 =	simm.s32 $execute0_lowered;
	[smem:$0x3FD2] =	sst s25  }
0xa6: {  	s5 =	sshll.u32 s26, $0x1;
	_ =	strace $0x80000049;
	[dreg:$0x1] =	wrdreg $0xFFFFFFFF  }
0xa7: {  	s28 =	simm.s32 $_size_execute0_lowered;
	s3 =	sadd.s32 s3, s5;
	[dreg:$0x0] =	wrdreg $0x0  }
0xa8: {  	s5 =	sshll.u32 s28, $0x1;
	[dreg:$0x2] =	wrdreg s3  }
0xa9: {  	[dreg:$0x3] =	wrdreg s5  }
0xaa: {  	[dreg:$0x4] =	wrdreg $0xC0  }
0xab: {  	_ =	task [dreg:s7], $0x5FFFF  }
0xac: {  	[dreg:$0x1] =	wrdreg $0xFFFFFFFF  }
0xad: {  	[dreg:$0x0] =	wrdreg $0x60  }
0xae: {  	[dreg:$0x2] =	wrdreg s24  }
0xaf: {  	[dreg:$0x3] =	wrdreg s2  }
0xb0: {  	[dreg:$0x4] =	wrdreg $0x9  }
0xb1: {  	_ =	task.clear_ibuf [dreg:s7], $0x5FFFF;
	_ =	strace $0x90000049  }
0xb2: {  	s29 =	simm.s32 $0x9;
	_ =	strace $0x8000004B  }
0xb3: {  	_ =	swait.ge [sflag:s29], $0x1  }
0xb4: {  	[sflag:s29] =	ssyncadd.s32 $0xFFFFFFFF  }
0xb5: {  	_ =	strace $0x9000004B  }
0xb6: {  	_ =	sfence  }
0xb7: {  	s30 =	sld [smem:$0x0];
	_ =	sdelay $0x2  }
0xb8: {  	s31 =	sshll.u32 s1, $0xD;
	s1 =	sshrl.u32 s1, $0x2  }
0xb9: {  	s3 =	sand.u32 $0x4000, s31;
	s1 =	sadd.s32 s1, s30  }
0xba: {  	s0 =	sor.u32 s3, s0;
	s1 =	sshll.u32 s1, $0x11  }
0xbb: {  	s0 =	sor.u32 s1, s0  }
0xbc: {  	s0 =	sadd.s32 $0x8F2B, s0  }
0xbd: {  	[sflag:s0] =	ssyncadd.remote.s32 $0x1  }
0xbe: {  	_ =	sfence.sel $0xFFFF  }
0xbf: {  	[dreg:$0x0] =	wrdreg $0xFFFFFFFF;
	(pc) =	sbr.abs _section_cstart, $3  }
0xc0: {  	[dreg:$0x1] =	wrdreg $0xFFFFFFFF  }
0xc1: {  	_ =	task.clear_ibuf [dreg:s7], $0x2FFFF;
	_ =	strace $0x9FFFFFFF  }
0xc2: {  	(tm) =	ssettm $0x7FFFFFFF  }
0xc3: {  	_ =	shalt  }
tec
execute0_lowered:
.L_overlay_start_1:
0x0: {  	(tag) =	ssettag $0x1  }
0x1: {  	s6 =	rddreg [dreg:$0x0]  }
0x2: {  	s1 =	rddreg [dreg:$0x1]  }
0x3: {  	s0 =	rddreg [dreg:$0x2];
	s2 =	simm.s32 $0x0;
	s3 =	srdreg.scid  }
0x4: {  	s11 =	simm.s32 $0x80;
	s12 =	simm.s32 $0x100;
	s13 =	simm.s32 $0x1  }
0x5: {  	s14 =	simm.s32 $0x0;
	[smem:$0x7FF] =	sst s2;
	s7 =	sand.u32 $0x1, s3  }
.Ltmp0:
0x6: {  	s3 =	stileid.u32;
	s4 =	sadd.s32 $0xF43400, s6;
	(pc) =	sbr.rel .LBB2_1-.Ltmp0, $4  }
0x7: {  	s5 =	sadd.s32 $0xF49800, s6;
	s6 =	sadd.s32 $0xF49A00, s6;
	s8 =	ssub.s32 $0x2, s7  }
0x8: {  	_ =	strace $0x8000004A;
	s10 =	sshll.u32 s3, $0x1;
	s9 =	sshrl.u32 s8, $0x1  }
0x9: {  	v1 =	vlaneseq.u32;
	s7 =	sor.u32 s7, s10;
	s10 =	simm.s32 $0x2;
	s8 =	ssub.s32 s8, s9  }
0xa: {  	v0 =	vimm.f32 $0.0e+00;
	v1 =	vmul.u32 $0x40, v1;
	s7 =	smul.u32 $0x32, s7;
	s9 =	simm.s32 $0x2100;
	s8 =	smax.u32 s8, $0x1  }
.LBB2_9:
0xb: {  	s14 =	sadd.s32 $0x1, s14  }
0xc: {  	p0 =	sne.s32 s14, s8  }
.Ltmp1:
0xd: {  	_ = 	snop;
	(pc) =	sbr.rel @!p0 .LBB2_10-.Ltmp1, $1  }
0xe: {  	_ =	sdelay $0x3  }
.LBB2_1:
.Ltmp2:
0xf: {  	(pc) =	sbr.rel .LBB2_2-.Ltmp2, $4  }
0x10: {  	[tilespmem:s9], [sflag:$0x2] =	stream.linear.gather [hbm4b:s5+s2], $0x80, $0x38;
	[tilespmem:$0x2180] =	vst v63  }
0x11: {  	_ =	swait.ge [sflag:s10], $0x80  }
0x12: {  	[sflag:s10] =	ssyncset.done $0x0  }
0x13: {  	s15 =	simm.s32 $0x0;
	[sflag:s10] =	ssyncadd.s32 $0xFFFFFF80  }
.LBB2_8:
0x14: {  	s15 =	sadd.s32 $0x1, s15  }
0x15: {  	s16 =	sshll.u32 s16, $0xA;
	p0 =	sne.s32 s15, $0x32  }
.Ltmp3:
0x16: {  	s16 =	sadd.s32 s1, s16;
	(pc) =	sbr.rel @!p0 .LBB2_9-.Ltmp3, $4  }
0x17: {  	[hbm4b:s16+s2] =	stream.linear.scatter [tilespmem:s12], [sflag:$0x2], $0x2000, $0x38;
	[tilespmem:$0x2180] =	vst v63  }
0x18: {  	_ =	swait.ge [sflag:s10], $0x2000  }
0x19: {  	[sflag:s10] =	ssyncset.done $0x0  }
0x1a: {  	[sflag:s10] =	ssyncadd.s32 $0xFFFFE000  }
.LBB2_2:
0x1b: {  	s16 =	sadd.s32 s7, s15  }
0x1c: {  	s17 =	sshll.u32 s16, $0x4  }
0x1d: {  	s18 =	sadd.s32 s4, s17;
	s17 =	simm.s32 $0x0  }
0x1e: {  	[tilespmem:s17], [sflag:$0x2] =	stream.linear.gather [hbm4b:s18+s17], $0x80, $0x38;
	[tilespmem:$0x2180] =	vst v63  }
0x1f: {  	_ =	swait.ge [sflag:s10], $0x80  }
0x20: {  	[sflag:s10] =	ssyncset.done $0x0  }
0x21: {  	[sflag:s10] =	ssyncadd.s32 $0xFFFFFF80  }
0x22: {  	v2 =	vld [tilespmem:$0x0]  }
0x23: {  	v3 =	vld [tilespmem:$0x10]  }
0x24: {  	v4 =	vld [tilespmem:$0x20]  }
0x25: {  	v5 =	vld [tilespmem:$0x30]  }
0x26: {  	v6 =	vld [tilespmem:$0x40]  }
0x27: {  	v7 =	vld [tilespmem:$0x50]  }
0x28: {  	v9 =	vld [tilespmem:$0x70];
	_ =	sdelay $0x2  }
0x29: {  	v2 =	vadd.s32 $0xFFFFFFFE, v2;
	v3 =	vadd.s32 $0xFFFFFFFE, v3  }
0x2a: {  	v4 =	vadd.s32 $0xFFFFFFFE, v4;
	v5 =	vadd.s32 $0xFFFFFFFE, v5;
	v6 =	vadd.s32 $0xFFFFFFFE, v6  }
0x2b: {  	v8 =	vld [tilespmem:$0x60];
	v61 =	vadd.s32 $0xFFFFFFFE, v7;
	v63 =	vadd.s32 $0xFFFFFFFE, v9;
	vm0 =	vgt.s32 v2, $0x0  }
0x2c: {  	vm10 =	vgt.s32 v3, $0x0;
	vm11 =	vgt.s32 v4, $0x0;
	v2 =	vnsel vm0, $0x0, v2  }
0x2d: {  	vm12 =	vgt.s32 v5, $0x0;
	v3 =	vnsel vm10, $0x0, v3;
	v2 =	vshll.u32 v2, $0x1  }
0x2e: {  	vm1 =	vgt.s32 v6, $0x0;
	v4 =	vnsel vm11, $0x0, v4;
	v3 =	vshll.u32 v3, $0x1;
	[tilespmem:$0x80] =	vst v2  }
0x2f: {  	vm13 =	vgt.s32 v61, $0x0;
	v5 =	vnsel vm12, $0x0, v5;
	[tilespmem:$0x90] =	vst v3;
	v3 =	vshll.u32 v4, $0x1  }
0x30: {  	v60 =	vshll.u32 v5, $0x1;
	v2 =	vnsel vm1, $0x0, v6;
	[tilespmem:$0xA0] =	vst v3;
	v3 =	vadd.s32 $0xFFFFFFFE, v8  }
0x31: {  	v62 =	vnsel vm13, $0x0, v61;
	[tilespmem:$0xB0] =	vst v60;
	v2 =	vshll.u32 v2, $0x1;
	vm14 =	vgt.s32 v3, $0x0  }
0x32: {  	vm15 =	vgt.s32 v63, $0x0;
	[tilespmem:$0xC0] =	vst v2;
	v2 =	vshll.u32 v62, $0x1;
	v3 =	vnsel vm14, $0x0, v3  }
0x33: {  	[tilespmem:$0xD0] =	vst v2;
	v2 =	vnsel vm15, $0x0, v63;
	v3 =	vshll.u32 v3, $0x1  }
0x34: {  	v2 =	vshll.u32 v2, $0x1;
	[tilespmem:$0xE0] =	vst v3  }
.Ltmp4:
0x35: {  	[tilespmem:$0xF0] =	vst v2;
	(pc) =	sbr.rel .LBB2_3-.Ltmp4, $4  }
0x36: {  	[tilespmem:s12], [sflag:$0x1] =	stream.indirect.gather [hbm4b:s6+s11], $0x40, s11, s11, $0xb8;
	[tilespmem:$0x2180] =	vst v63  }
0x37: {  	_ =	swait.ge [sflag:s13], $0x2000  }
0x38: {  	[sflag:s13] =	ssyncset.done $0x0  }
0x39: {  	[sflag:s13] =	ssyncadd.s32 $0xFFFFE000  }
.LBB2_6:
0x3a: {  	_ =	sdelay $0x2  }
0x3b: {  	v8 =	vand.u32 $0x38, v6;
	v5 =	vor.u32 v3, v5  }
0x3c: {  	v7 =	vld.idx.msk [tilespmem:v7+s9+$0x0], $0xffff;
	v63 =	vand.u32 $0x7, v6;
	v2 =	vor.u32 v2, v8;
	v4 =	vor.u32 v4, v5  }
0x3d: {  	v2 =	vor.u32 v63, v2;
	_ =	sdelay $0x3  }
0x3e: {  	v3 =	vor.u32 v3, v8;
	[tilespmem:v4+s12+$0x0] =	vst.idx.msk vm0, v7  }
0x3f: {  	v3 =	vor.u32 v63, v3;
	v2 =	vld.idx.msk [tilespmem:v2+s9+$0x0], $0xffff;
	_ =	sdelay $0x4  }
0x40: {  	[tilespmem:v3+s12+$0x0] =	vst.idx.msk vm0, v2  }
.LBB2_7:
0x41: {  	s17 =	sadd.s32 $0x1, s17  }
0x42: {  	p0 =	sne.s32 s17, $0x8  }
.Ltmp5:
0x43: {  	_ = 	snop;
	(pc) =	sbr.rel @!p0 .LBB2_8-.Ltmp5, $1  }
0x44: {  	_ =	sdelay $0x3  }
.LBB2_3:
0x45: {  	s18 =	sshll.u32 s17, $0x4  }
0x46: {  	v2 =	vld [tilespmem:s18+$0x0];
	_ =	sdelay $0x4  }
0x47: {  	vm0 =	vlt.s32 v2, $0x2  }
0x48: {  	v3 =	vsel vm0, $0x3F800000, v0  }
0x49: {  	(xrf0) =	vmax.scan.msk.f32 $0xffff, v3;
	_ =	sdelay $0x5  }
0x4a: {  	v3, _, _ =	vpop (xrf0)  }
0x4b: {  	(v2sf) =	vpush v3, $0xF;
	_ =	sdelay $0xe  }
0x4c: {  	s19 =	spop (v2sf)  }
0x4d: {  	p0 =	sgt.f32 s19, $0.0e+00  }
.Ltmp6:
0x4e: {  	_ = 	snop;
	(pc) =	sbr.rel @!p0 .LBB2_7-.Ltmp6, $1  }
0x4f: {  	_ =	sdelay $0x3  }
0x50: {  	vm1 =	vlt.s32 v2, $0x1;
	s19 =	simm.s32 $0x0  }
0x51: {  	v2 =	vnsel vm1, $0x1, v2;
	v3 =	vmov s19  }
0x52: {  	v4 =	vmov s18;
	v2 =	vshll.u32 v2, $0x6;
	v5 =	vand.u32 $0x38, v3  }
0x53: {  	v6 =	vshll.u32 v4, $0x6;
	v4 =	vand.u32 $0x7, v3;
	v7 =	vor.u32 v2, v5  }
0x54: {  	v7 =	vor.u32 v4, v7;
	_ =	sdelay $0x2  }
0x55: {  	s31 =	simm.s32 $0x1  }
0x56: {  	s18 =	simm.s32 $0x2;
	v3 =	vor.u32 v1, v6;
	v6 =	vmov s31  }
.LBB2_5:
0x57: {  	p0 =	sne.s32 s18, $0x3F;
	v8 =	vld.idx.msk [tilespmem:v7+s9+$0x0], $0xffff;
	v7 =	vor.u32 v3, v5;
	v5 =	vand.u32 $0x38, v6  }
0x58: {  	v9 =	vor.u32 v2, v5;
	v10 =	vor.u32 v4, v7;
	v4 =	vand.u32 $0x7, v6  }
.Ltmp7:
0x59: {  	v7 =	vor.u32 v4, v9;
	(pc) =	sbr.rel @p0 .LBB2_5-.Ltmp7, $2  }
0x5a: {  	_ =	sdelay $0x2  }
0x5b: {  	v6 =	vmov s18;
	s18 =	sadd.s32 $0x1, s18;
	[tilespmem:v10+s12+$0x0] =	vst.idx.msk vm0, v8  }
.Ltmp8:
0x5c: {  	_ = 	snop;
	(pc) =	sbr.rel .LBB2_6-.Ltmp8, $1  }
0x5d: {  	_ =	sdelay $0x3  }
.LBB2_10:
0x5e: {  	_ =	sfence.sel $0x180000  }
0x5f: {  	[bflag:$0x0] =	sbarrier.arrive $0xFFFF  }
0x60: {  	p0 =	sne.s32 s3, $0x0;
	_ =	strace $0x9000004A  }
0x61: {  	s0 =	sadd.s32 @!p0 $0x100000, s0;
	[bflag:$0x2] =	sbarrier.arrive $0xFFFF  }
0x62: {  	[sflag:s0] =	ssyncadd.tile.s32 @!p0 $0x1;
	_ =	shalt  }
.Lfunc_end2:
_tile_overlayer_lowered:
.L_overlay_start_2:
0x63: {  	(tag) =	ssettag $0x2  }
0x64: {  	s0 =	rddreg [dreg:$0x0];
	s2 =	stileid.u32  }
0x65: {  	s1 =	rddreg [dreg:$0x1];
	p0 =	sne.s32 s2, $0x0  }
0x66: {  	s3 =	rddreg [dreg:$0x2];
	[bflag:$0x3] =	sbarrier.arrive $0xFFFF;
	s2 =	simm.s32 @!p0 $0x1C02  }
0x67: {  	[timem:s3], [sflag:s2] =	dma.local @!p0 [hbm:s0], s1  }
0x68: {  	s0 =	simm.s32 @!p0 $0x2  }
0x69: {  	_ =	swait.ge @!p0 [sflag:s0], s1  }
0x6a: {  	s1 =	ssub.s32 @!p0 $0x0, s1;
	[sflag:s0] =	ssyncset.done @!p0 $0x0  }
0x6b: {  	[sflag:s0] =	ssyncadd.s32 @!p0 s1  }
0x6c: {  	[bflag:$0x3] =	sbarrier.arrive $0xFFFF  }
0x6d: {  	_ =	shalt  }

// kernel: sparse-core-data-format-call.1.cloned.1.call-start
scs
called_computation.1_lowered:
.L_overlay_start_0:
0x0: {  	s2 =	sld [smem:$0x3FD9]  }
0x1: {  	s3 =	sld [smem:$0x3FFE];
	_ =	sdelay $0x1  }
0x2: {  	s1 =	srdreg.scid  }
0x3: {  	s0 =	sand.u32 $0x1, s1  }
0x4: {  	s18 =	sshll.u32 s0, $0xA;
	s2 =	sadd.s32 s3, s2  }
0x5: {  	s2 =	sadd.s32 s2, s18  }
0x6: {  	[smem:$0x3FC5] =	sst s2  }
0x7: {  	_ = 	snop  }
0x8: {  	s2 =	sld [smem:$0x3FC7];
	(tm) =	ssettm $0x1  }
0x9: {  	s19 =	sld [smem:$0x3FFB];
	_ =	sdelay $0x3  }
0xa: {  	_ =	strace s19  }
0xb: {  	s3 =	sld [smem:$0x3FFC];
	_ =	sdelay $0x3  }
0xc: {  	_ =	strace s3  }
0xd: {  	s3 =	sld [smem:$0x3FFD];
	_ =	sdelay $0x3  }
0xe: {  	_ =	strace s3  }
0xf: {  	_ =	strace $0x8FFFFFFF  }
0x10: {  	s20 =	sld [smem:$0x3FDB];
	_ =	sdelay $0x1  }
0x11: {  	s4 =	simm.s32 $_scs_section_size  }
0x12: {  	s5 =	simm.s32 $_size__tile_overlayer_lowered;
	s6 =	simm.s32 $_tile_overlayer_lowered  }
0x13: {  	s23 =	simm.s32 $0x1BFF;
	s22 =	sshll.u32 s6, $0x1;
	s3 =	sadd.s32 s4, s20  }
0x14: {  	s7 =	simm.s32 $0x0;
	s21 =	sshll.u32 s5, $0x1;
	s5 =	sadd.s32 s22, s3  }
0x15: {  	[timem:s7], [sflag:s23] =	dma.local [hbm:s5], s21  }
0x16: {  	_ =	swait.ge [sflag:s23], s21  }
0x17: {  	s4 =	ssub.s32 $0x0, s21;
	[sflag:s23] =	ssyncset.done $0x0  }
0x18: {  	[sflag:s23] =	ssyncadd.s32 s4;
	_ =	sdelay $0x1  }
0x19: {  	s24 =	simm.s32 $0x1B8B  }
0x1a: {  	_ =	swait.ge [sflag:s24], $0x1  }
0x1b: {  	[sflag:s24] =	ssyncset.done $0x0  }
0x1c: {  	s26 =	simm.s32 $0x1B8E;
	s25 =	sld [smem:$0x3FFE];
	[sflag:s24] =	ssyncadd.s32 $0xFFFFFFFF  }
0x1d: {  	s27 =	simm.s32 $execute0_lowered;
	[smem:$0x3FD2] =	sst s26  }
0x1e: {  	s5 =	sshll.u32 s27, $0x1;
	_ =	strace $0x80000046;
	[dreg:$0x1] =	wrdreg $0xFFFFFFFF  }
0x1f: {  	s28 =	simm.s32 $_size_execute0_lowered;
	s3 =	sadd.s32 s3, s5;
	[dreg:$0x0] =	wrdreg $0x0  }
0x20: {  	s5 =	sshll.u32 s28, $0x1;
	[dreg:$0x2] =	wrdreg s3  }
0x21: {  	[dreg:$0x3] =	wrdreg s5  }
0x22: {  	[dreg:$0x4] =	wrdreg $0xC0  }
0x23: {  	_ =	task [dreg:s7], $0x5FFFF  }
0x24: {  	[dreg:$0x1] =	wrdreg $0xFFFFFFFF  }
0x25: {  	[dreg:$0x0] =	wrdreg $0x60  }
0x26: {  	[dreg:$0x2] =	wrdreg s2  }
0x27: {  	[dreg:$0x3] =	wrdreg s25  }
0x28: {  	[dreg:$0x4] =	wrdreg $0x9  }
0x29: {  	_ =	task.clear_ibuf [dreg:s7], $0x5FFFF;
	_ =	strace $0x90000046  }
0x2a: {  	s29 =	simm.s32 $0x9;
	_ =	strace $0x80000048  }
0x2b: {  	_ =	swait.ge [sflag:s29], $0x1  }
0x2c: {  	[sflag:s29] =	ssyncadd.s32 $0xFFFFFFFF  }
0x2d: {  	_ =	strace $0x90000048  }
0x2e: {  	_ =	sfence  }
0x2f: {  	s30 =	sld [smem:$0x0];
	_ =	sdelay $0x2  }
0x30: {  	s31 =	sshll.u32 s1, $0xD;
	s1 =	sshrl.u32 s1, $0x2  }
0x31: {  	s3 =	sand.u32 $0x4000, s31;
	s1 =	sadd.s32 s1, s30  }
0x32: {  	s0 =	sor.u32 s3, s0;
	s1 =	sshll.u32 s1, $0x11  }
0x33: {  	s0 =	sor.u32 s1, s0  }
0x34: {  	s0 =	sadd.s32 $0x8F2B, s0  }
0x35: {  	[sflag:s0] =	ssyncadd.remote.s32 $0x1  }
0x36: {  	_ =	sfence.sel $0xFFFF  }
0x37: {  	[dreg:$0x0] =	wrdreg $0xFFFFFFFF;
	(pc) =	sbr.abs _section_cstart, $3  }
0x38: {  	[dreg:$0x1] =	wrdreg $0xFFFFFFFF  }
0x39: {  	_ =	task.clear_ibuf [dreg:s7], $0x2FFFF;
	_ =	strace $0x9FFFFFFF  }
0x3a: {  	(tm) =	ssettm $0x7FFFFFFF  }
0x3b: {  	_ =	shalt  }
tec
execute0_lowered:
.L_overlay_start_1:
0x0: {  	(tag) =	ssettag $0x1  }
0x1: {  	s0 =	srdreg.scid;
	s2 =	rddreg [dreg:$0x0]  }
0x2: {  	s5 =	rddreg [dreg:$0x1];
	s1 =	stileid.u32  }
0x3: {  	s4 =	simm.s32 $0x1;
	s6 =	simm.s32 $0x2;
	s15 =	simm.s32 $0x0  }
0x4: {  	p0 =	por $0x0, $0x0;
	s8 =	simm.s32 $0x80;
	s0 =	sshll.u32 s0, $0x4  }
0x5: {  	s14 =	simm.s32 $0x0;
	s9 =	simm.s32 $0x0;
	s3 =	sand.u32 $0x10, s0  }
.Ltmp0:
0x6: {  	s10 =	simm.s32 $0x0;
	s3 =	sor.u32 s1, s3;
	(pc) =	sbr.rel .LBB1_1-.Ltmp0, $4  }
0x7: {  	s0 =	rddreg [dreg:$0x2];
	_ =	strace $0x80000047;
	s3 =	sshll.u32 s3, $0x7  }
0x8: {  	s12 =	simm.s32 $0x0;
	[sflag:s4] =	ssyncpa.u1 $0x0;
	s7 =	ssub.s32 $0xF4200, s3  }
0x9: {  	s13 =	simm.s32 $0x0;
	[sflag:s6] =	ssyncpa.u1 $0x0;
	s6 =	sshrl.u32 s7, $0xC  }
0xa: {  	s5 =	sadd.s32 $0x1000, s5;
	s11 =	smov.u32 s3;
	s7 =	sadd.s32 $0x2, s6  }
.LBB1_5:
0xb: {  	p1 =	slt.u32 s13, $0x2  }
0xc: {  	s17 =	smov.u32 s15;
	p2 =	sgt.s32 @!p1 s15, $0xF41C0;
	s16 =	sshra.s32 @!p1 s15, $0x1F  }
0xd: {  	p3 =	sgt.s32 @!p1 s14, $0x40;
	s18 =	sshra.s32 @!p1 s14, $0x1F;
	p2 =	por !p2, p1  }
0xe: {  	s15 =	sand.u32 @!p1 s16, s15;
	p3 =	por !p3, p1;
	s16 =	smov.u32 s14  }
0xf: {  	s14 =	sand.u32 @!p1 s18, s14;
	s17 =	simm.s32 @p2 $0xF41C0;
	s16 =	simm.s32 @p3 $0x40  }
0x10: {  	s15 =	ssub.s32 @!p1 s17, s15;
	s14 =	ssub.s32 @!p1 s16, s14  }
0x11: {  	s18 =	smov.u32 s12;
	s16 =	sadd.s32 @!p1 $0xFFF0BE40, s15;
	s17 =	sadd.s32 @!p1 $0xFFFFFFC0, s14  }
0x12: {  	s15 =	ssub.s32 @!p1 $0xF4240, s15;
	p2 =	sgt.s32 @!p1 s16, $0x7F;
	p3 =	sgt.s32 @!p1 s17, $0x3F  }
0x13: {  	s14 =	ssub.s32 @!p1 $0x80, s14;
	p2 =	por !p2, p1;
	p3 =	por !p3, p1  }
0x14: {  	s16 =	sadd.s32 $0x1000, s11;
	s15 =	simm.s32 @!p2 $0x0;
	s14 =	simm.s32 @!p3 $0x0  }
0x15: {  	p2 =	sgt.s32 s16, $0xF423F;
	s14 =	smul.u32 @!p1 s14, s15;
	s15 =	sadd.s32 $0x40, s12  }
0x16: {  	s18 =	smov.u32 @p2 s15  }
0x17: {  	s16 =	smov.u32 @p2 s3;
	p2 =	sgt.s32 s18, $0x3F  }
0x18: {  	s18 =	simm.s32 @p2 $0x0;
	p2 =	sne.s32 s13, s7  }
.Ltmp1:
0x19: {  	p0 =	por !p0, !p0;
	s17 =	simm.s32 @!p1 $0x2;
	(pc) =	sbr.rel @!p2 .LBB1_6-.Ltmp1, $4  }
0x1a: {  	s15 =	smov.u32 s9;
	s9 =	smov.u32 s11;
	s14 =	sand.u32 @!p1 $0x3FFFFFFF, s14  }
0x1b: {  	s11 =	smov.u32 s16;
	_ =	swait.ge @!p1 [sflag:s17], s14;
	s19 =	ssub.s32 @!p1 $0x0, s14  }
0x1c: {  	s14 =	smov.u32 s10;
	s13 =	sadd.s32 $0x1, s13;
	[sflag:s17] =	ssyncset.done @!p1 $0x0  }
0x1d: {  	s10 =	smov.u32 s12;
	s12 =	smov.u32 s18;
	[sflag:s17] =	ssyncadd.s32 @!p1 s19  }
.LBB1_1:
0x1e: {  	p1 =	sgt.u32 s13, s6  }
0x1f: {  	s16 =	sshrl.u32 @!p1 s12, $0x3  }
0x20: {  	s17 =	sshll.u32 @!p1 s11, $0x3;
	s16 =	smul.u32 @!p1 $0x7A1400, s16  }
0x21: {  	s18 =	sshll.u32 @!p1 s12, $0x7;
	s17 =	sand.u32 @!p1 $0xFFFFFC00, s17  }
0x22: {  	s16 =	sadd.s32 @!p1 s16, s17;
	s17 =	sand.u32 @!p1 $0x380, s18  }
0x23: {  	s18 =	sand.u32 @!p1 $0x7F, s11;
	s16 =	sor.u32 @!p1 s17, s16  }
0x24: {  	s17 =	sor.u32 @!p1 s18, s16  }
0x25: {  	s18 =	smulhi.u32 @!p1 $0x218D6287, s17;
	_ =	sdelay $0x1  }
0x26: {  	s16 =	smulhi.u32 @!p1 $0x218D6287, s16;
	s18 =	sshrl.u32 @!p1 s18, $0x11  }
0x27: {  	s18 =	smul.u32 @!p1 $0xF4280, s18  }
0x28: {  	s19 =	sxor.u32 @!p1 $0xFFFFFFFF, s13;
	s16 =	sshrl.u32 @!p1 s16, $0x11  }
0x29: {  	s19 =	sshll.u32 @!p1 s19, $0xD;
	s16 =	sand.u32 @!p1 $0x3F, s16;
	s17 =	ssub.s32 @!p1 s17, s18  }
0x2a: {  	s16 =	smul.u32 @!p1 $0x1E850, s16;
	s18 =	sshrl.u32 @!p1 s17, $0x3;
	s17 =	sand.u32 @!p1 $0x7, s17  }
0x2b: {  	s19 =	sand.u32 @!p1 $0x2000, s19;
	s18 =	sadd.s32 @!p1 s2, s18;
	s17 =	sshll.u32 @!p1 s17, $0x12  }
0x2c: {  	s16 =	sadd.s32 @!p1 s16, s18;
	s17 =	sor.u32 @!p1 $0x400, s17;
	s18 =	simm.s32 @!p1 $0x7A1400  }
0x2d: {  	[tilespmem:s19], [sflag:$0x1] =	stream.strided.gather @!p1 [hbm4b:s16+s17], $0x2000, s18, s17, $0x38;
	[tilespmem:$0x8100] =	vst v63  }
0x2e: {  	p1 =	seq.s32 s13, $0x0  }
0x2f: {  	p2 =	sge.u32 @!p1 s13, s7  }
0x30: {  	p1 =	por p1, p2  }
.Ltmp2:
0x31: {  	_ = 	snop;
	(pc) =	sbr.rel @p1 .LBB1_5-.Ltmp2, $1  }
0x32: {  	_ =	sdelay $0x3  }
0x33: {  	s16 =	simm.s32 $0x1  }
0x34: {  	_ =	swait.ge [sflag:s4], $0x2000;
	s16 =	simm.s32 @!p0 $0x0  }
0x35: {  	[sflag:s4] =	ssyncset.done $0x0;
	s17 =	sshll.u32 s16, $0xD  }
0x36: {  	[sflag:s4] =	ssyncadd.s32 $0xFFFFE000;
	s17 =	sor.u32 $0x40, s17  }
0x37: {  	s16 =	smul.u32 $0x8200, s16;
	v0 =	vld [tilespmem:s17+$0x30]  }
0x38: {  	v1 =	vld [tilespmem:s17+$0xFFFFFFD0]  }
0x39: {  	s16 =	sshrl.u32 s16, $0x2;
	v5 =	vld [tilespmem:s17+$0xFFFFFFE0]  }
0x3a: {  	v6 =	vld [tilespmem:s17+$0xFFFFFFF0];
	s19 =	sor.u32 $0x4000, s16  }
0x3b: {  	s31 =	sand.u32 $0x1, s13;
	v4 =	vld [tilespmem:s17+$0x0];
	s18 =	sadd.s32 $0x0, s19  }
0x3c: {  	v3 =	vld [tilespmem:s17+$0x10];
	s16 =	smul.u32 $0x8200, s31;
	[tilespmem:s18+$0x1C70 ss:$0x41] =	vst.msk $0xffff, v0  }
0x3d: {  	v2 =	vld [tilespmem:s17+$0x20];
	[tilespmem:s18+$0x410 ss:$0x41] =	vst.msk $0xffff, v1  }
0x3e: {  	s16 =	sshrl.u32 s16, $0x2;
	v1 =	vld [tilespmem:s17+$0xFFFFFFC0];
	[tilespmem:s18+$0x820 ss:$0x41] =	vst.msk $0xffff, v5;
	s17 =	sadd.s32 $0x80, s17  }
0x3f: {  	s20 =	simm.s32 $0x4;
	s21 =	simm.s32 $0x8;
	s16 =	sor.u32 $0x4000, s16;
	[tilespmem:s18+$0xC30 ss:$0x41] =	vst.msk $0xffff, v6;
	v0 =	vld [tilespmem:s17+$0x30]  }
.LBB1_3:
0x40: {  	p1 =	sne.s32 s21, $0xFC;
	v5 =	vld [tilespmem:s17+$0xFFFFFFD0];
	[tilespmem:s18+$0x1040 ss:$0x41] =	vst.msk $0xffff, v4  }
0x41: {  	v6 =	vld [tilespmem:s17+$0xFFFFFFE0];
	[tilespmem:s18+$0x1450 ss:$0x41] =	vst.msk $0xffff, v3  }
0x42: {  	s22 =	sshra.s32 s20, $0x2;
	s20 =	smov.u32 s21;
	v7 =	vld [tilespmem:s17+$0xFFFFFFF0];
	[tilespmem:s18+$0x1860 ss:$0x41] =	vst.msk $0xffff, v2  }
.Ltmp3:
0x43: {  	v4 =	vld [tilespmem:s17+$0x0];
	[tilespmem:s18+$0x0 ss:$0x41] =	vst.msk $0xffff, v1;
	s18 =	sadd.s32 s22, s19;
	(pc) =	sbr.rel @p1 .LBB1_3-.Ltmp3, $4  }
0x44: {  	v3 =	vld [tilespmem:s17+$0x10];
	[tilespmem:s18+$0x1C70 ss:$0x41] =	vst.msk $0xffff, v0  }
0x45: {  	[tilespmem:s18+$0x410 ss:$0x41] =	vst.msk $0xffff, v5;
	v2 =	vld [tilespmem:s17+$0x20]  }
0x46: {  	v1 =	vld [tilespmem:s17+$0xFFFFFFC0];
	[tilespmem:s18+$0x820 ss:$0x41] =	vst.msk $0xffff, v6;
	s17 =	sadd.s32 $0x80, s17  }
0x47: {  	s21 =	sadd.s32 $0x4, s21;
	v0 =	vld [tilespmem:s17+$0x30];
	[tilespmem:s18+$0xC30 ss:$0x41] =	vst.msk $0xffff, v7  }
0x48: {  	s21 =	sshll.u32 s9, $0x7;
	s22 =	sshll.u32 s10, $0x3;
	s20 =	sshra.s32 s20, $0x2  }
0x49: {  	p1 =	sgt.s32 s9, $0xF41C0;
	s30 =	sshra.s32 s9, $0x1F;
	s25 =	sshra.s32 s10, $0x1F  }
0x4a: {  	v5 =	vld [tilespmem:s17+$0xFFFFFFD0];
	s28 =	sshrl.u32 s10, $0x3;
	s23 =	sand.u32 $0xFFFFFC00, s21;
	s22 =	sand.u32 $0xFFFFFC00, s22  }
0x4b: {  	[tilespmem:s18+$0x1040 ss:$0x41] =	vst.msk $0xffff, v4;
	v58 =	vld [tilespmem:s17+$0xFFFFFFE0];
	s21 =	sand.u32 $0x380, s21;
	s19 =	sadd.s32 s20, s19;
	s22 =	sadd.s32 s22, s23  }
0x4c: {  	v59 =	vld [tilespmem:s17+$0xFFFFFFF0];
	[tilespmem:s18+$0x1450 ss:$0x41] =	vst.msk $0xffff, v3;
	s29 =	sor.u32 s21, s22;
	s21 =	smov.u32 s9;
	s22 =	sand.u32 s30, s9  }
0x4d: {  	v60 =	vld [tilespmem:s17+$0x0];
	[tilespmem:s18+$0x1860 ss:$0x41] =	vst.msk $0xffff, v2;
	s30 =	sand.u32 $0x7, s10;
	s20 =	sshrl.u32 s29, $0x7;
	s21 =	simm.s32 @!p1 $0xF41C0  }
0x4e: {  	v61 =	vld [tilespmem:s17+$0x10];
	[tilespmem:s18+$0x0 ss:$0x41] =	vst.msk $0xffff, v1;
	p1 =	sgt.s32 s10, $0x40;
	s24 =	ssub.s32 s21, s22;
	s21 =	smov.u32 s10  }
0x4f: {  	v62 =	vld [tilespmem:s17+$0x20];
	[tilespmem:s19+$0x1C70 ss:$0x41] =	vst.msk $0xffff, v0;
	s31 =	smulhi.u32 $0x218DEF5, s20;
	s22 =	sand.u32 s25, s10;
	s21 =	simm.s32 @!p1 $0x40  }
0x50: {  	v63 =	vld [tilespmem:s17+$0xFFFFFFC0];
	[tilespmem:s19+$0x410 ss:$0x41] =	vst.msk $0xffff, v5;
	s26 =	sadd.s32 $0xFFF0BE40, s24;
	s17 =	ssub.s32 $0xF4240, s24;
	s21 =	ssub.s32 s21, s22  }
0x51: {  	[tilespmem:s19+$0x820 ss:$0x41] =	vst.msk $0xffff, v58;
	s23 =	sshrl.u32 s31, $0xD;
	p1 =	sgt.s32 s26, $0x7F;
	s27 =	sadd.s32 $0xFFFFFFC0, s21  }
0x52: {  	[tilespmem:s19+$0xC30 ss:$0x41] =	vst.msk $0xffff, v59;
	s23 =	smul.u32 $0xF4240, s23;
	s18 =	ssub.s32 $0x80, s21;
	p2 =	sgt.s32 s27, $0x3F  }
.Ltmp4:
0x53: {  	[tilespmem:s19+$0x1040 ss:$0x41] =	vst.msk $0xffff, v60;
	s17 =	simm.s32 @p1 $0x0;
	s18 =	simm.s32 @p2 $0x0;
	(pc) =	sbr.rel .LBB1_5-.Ltmp4, $4  }
0x54: {  	s29 =	sand.u32 $0xF, s28;
	[tilespmem:s19+$0x1450 ss:$0x41] =	vst.msk $0xffff, v61;
	s20 =	ssub.s32 s20, s23;
	s17 =	smul.u32 s18, s17  }
0x55: {  	[tilespmem:s19+$0x1860 ss:$0x41] =	vst.msk $0xffff, v62;
	s21 =	sshll.u32 s30, $0x12;
	s20 =	sshll.u32 s20, $0x4;
	s18 =	sadd.s32 s5, s29  }
0x56: {  	[tilespmem:s19+$0x0 ss:$0x41] =	vst.msk $0xffff, v63;
	s31 =	sor.u32 $0x40, s21;
	s18 =	sadd.s32 s20, s18;
	s17 =	sand.u32 $0x3FFFFFFF, s17  }
0x57: {  	[hbm4b:s18+s31] =	stream.strided.scatter [tilespmem:s16], [sflag:$0x2], s17, s8, s31, $0x18;
	[tilespmem:$0x8100] =	vst v63  }
.LBB1_6:
0x58: {  	_ =	sfence.sel $0x180000  }
0x59: {  	s2 =	simm.s32 $0x1;
	[bflag:$0x0] =	sbarrier.arrive $0xFFFF  }
0x5a: {  	s31 =	simm.s32 $0x2;
	[sflag:s2] =	ssyncpa.u1 $0x1  }
0x5b: {  	[sflag:s31] =	ssyncpa.u1 $0x1  }
0x5c: {  	p0 =	sne.s32 s1, $0x0;
	_ =	strace $0x90000047  }
0x5d: {  	s0 =	sadd.s32 @!p0 $0x100000, s0;
	[bflag:$0x2] =	sbarrier.arrive $0xFFFF  }
0x5e: {  	[sflag:s0] =	ssyncadd.tile.s32 @!p0 $0x1;
	_ =	shalt  }
.Lfunc_end1:
_tile_overlayer_lowered:
.L_overlay_start_2:
0x5f: {  	(tag) =	ssettag $0x2  }
0x60: {  	s0 =	rddreg [dreg:$0x0];
	s2 =	stileid.u32  }
0x61: {  	s1 =	rddreg [dreg:$0x1];
	p0 =	sne.s32 s2, $0x0  }
0x62: {  	s3 =	rddreg [dreg:$0x2];
	[bflag:$0x3] =	sbarrier.arrive $0xFFFF;
	s2 =	simm.s32 @!p0 $0x1C01  }
0x63: {  	[timem:s3], [sflag:s2] =	dma.local @!p0 [hbm:s0], s1  }
0x64: {  	s0 =	simm.s32 @!p0 $0x1  }
0x65: {  	_ =	swait.ge @!p0 [sflag:s0], s1  }
0x66: {  	s1 =	ssub.s32 @!p0 $0x0, s1;
	[sflag:s0] =	ssyncset.done @!p0 $0x0  }
0x67: {  	[sflag:s0] =	ssyncadd.s32 @!p0 s1  }
0x68: {  	[bflag:$0x3] =	sbarrier.arrive $0xFFFF  }
0x69: {  	_ =	shalt  }

// kernel: sparse-core-data-format-call.cloned.1.call-start
scs
called_computation_lowered:
.L_overlay_start_0:
0x0: {  	s2 =	sld [smem:$0x3FD9]  }
0x1: {  	s3 =	sld [smem:$0x3FFE];
	_ =	sdelay $0x1  }
0x2: {  	s1 =	srdreg.scid  }
0x3: {  	s0 =	sand.u32 $0x1, s1  }
0x4: {  	s18 =	sshll.u32 s0, $0xA;
	s2 =	sadd.s32 s3, s2  }
0x5: {  	s2 =	sadd.s32 s2, s18  }
0x6: {  	[smem:$0x3FC5] =	sst s2  }
0x7: {  	_ = 	snop  }
0x8: {  	s2 =	sld [smem:$0x3FD0];
	(tm) =	ssettm $0x1  }
0x9: {  	s19 =	sld [smem:$0x3FFB];
	_ =	sdelay $0x3  }
0xa: {  	_ =	strace s19  }
0xb: {  	s3 =	sld [smem:$0x3FFC];
	_ =	sdelay $0x3  }
0xc: {  	_ =	strace s3  }
0xd: {  	s3 =	sld [smem:$0x3FFD];
	_ =	sdelay $0x3  }
0xe: {  	_ =	strace s3  }
0xf: {  	_ =	strace $0x8FFFFFFF  }
0x10: {  	s20 =	sld [smem:$0x3FDB];
	_ =	sdelay $0x1  }
0x11: {  	s4 =	simm.s32 $_scs_section_size  }
0x12: {  	s5 =	simm.s32 $_size__tile_overlayer_lowered;
	s6 =	simm.s32 $_tile_overlayer_lowered  }
0x13: {  	s23 =	simm.s32 $0x1BFF;
	s22 =	sshll.u32 s6, $0x1;
	s3 =	sadd.s32 s4, s20  }
0x14: {  	s7 =	simm.s32 $0x0;
	s21 =	sshll.u32 s5, $0x1;
	s5 =	sadd.s32 s22, s3  }
0x15: {  	[timem:s7], [sflag:s23] =	dma.local [hbm:s5], s21  }
0x16: {  	_ =	swait.ge [sflag:s23], s21  }
0x17: {  	s4 =	ssub.s32 $0x0, s21;
	[sflag:s23] =	ssyncset.done $0x0  }
0x18: {  	[sflag:s23] =	ssyncadd.s32 s4;
	_ =	sdelay $0x1  }
0x19: {  	s24 =	simm.s32 $0x1B8B  }
0x1a: {  	_ =	swait.ge [sflag:s24], $0x1  }
0x1b: {  	[sflag:s24] =	ssyncset.done $0x0  }
0x1c: {  	s26 =	simm.s32 $0x1B8E;
	s25 =	sld [smem:$0x3FFE];
	[sflag:s24] =	ssyncadd.s32 $0xFFFFFFFF  }
0x1d: {  	s27 =	simm.s32 $execute0_lowered;
	[smem:$0x3FD2] =	sst s26  }
0x1e: {  	s5 =	sshll.u32 s27, $0x1;
	_ =	strace $0x8000004C;
	[dreg:$0x1] =	wrdreg $0xFFFFFFFF  }
0x1f: {  	s28 =	simm.s32 $_size_execute0_lowered;
	s3 =	sadd.s32 s3, s5;
	[dreg:$0x0] =	wrdreg $0x0  }
0x20: {  	s5 =	sshll.u32 s28, $0x1;
	[dreg:$0x2] =	wrdreg s3  }
0x21: {  	[dreg:$0x3] =	wrdreg s5  }
0x22: {  	[dreg:$0x4] =	wrdreg $0xC0  }
0x23: {  	_ =	task [dreg:s7], $0x5FFFF  }
0x24: {  	[dreg:$0x1] =	wrdreg $0xFFFFFFFF  }
0x25: {  	[dreg:$0x0] =	wrdreg $0x60  }
0x26: {  	[dreg:$0x2] =	wrdreg s25  }
0x27: {  	[dreg:$0x3] =	wrdreg s2  }
0x28: {  	[dreg:$0x4] =	wrdreg $0x9  }
0x29: {  	_ =	task.clear_ibuf [dreg:s7], $0x5FFFF;
	_ =	strace $0x9000004C  }
0x2a: {  	s29 =	simm.s32 $0x9;
	_ =	strace $0x8000004E  }
0x2b: {  	_ =	swait.ge [sflag:s29], $0x1  }
0x2c: {  	[sflag:s29] =	ssyncadd.s32 $0xFFFFFFFF  }
0x2d: {  	_ =	strace $0x9000004E  }
0x2e: {  	_ =	sfence  }
0x2f: {  	s30 =	sld [smem:$0x0];
	_ =	sdelay $0x2  }
0x30: {  	s31 =	sshll.u32 s1, $0xD;
	s1 =	sshrl.u32 s1, $0x2  }
0x31: {  	s3 =	sand.u32 $0x4000, s31;
	s1 =	sadd.s32 s1, s30  }
0x32: {  	s0 =	sor.u32 s3, s0;
	s1 =	sshll.u32 s1, $0x11  }
0x33: {  	s0 =	sor.u32 s1, s0  }
0x34: {  	s0 =	sadd.s32 $0x8F2B, s0  }
0x35: {  	[sflag:s0] =	ssyncadd.remote.s32 $0x1  }
0x36: {  	_ =	sfence.sel $0xFFFF  }
0x37: {  	[dreg:$0x0] =	wrdreg $0xFFFFFFFF;
	(pc) =	sbr.abs _section_cstart, $3  }
0x38: {  	[dreg:$0x1] =	wrdreg $0xFFFFFFFF  }
0x39: {  	_ =	task.clear_ibuf [dreg:s7], $0x2FFFF;
	_ =	strace $0x9FFFFFFF  }
0x3a: {  	(tm) =	ssettm $0x7FFFFFFF  }
0x3b: {  	_ =	shalt  }
tec
execute0_lowered:
.L_overlay_start_1:
0x0: {  	(tag) =	ssettag $0x1  }
0x1: {  	s0 =	srdreg.scid  }
0x2: {  	s1 =	sshll.u32 s0, $0x4  }
0x3: {  	s0 =	stileid.u32;
	s1 =	sand.u32 $0x10, s1  }
0x4: {  	s1 =	sor.u32 s0, s1  }
0x5: {  	s6 =	rddreg [dreg:$0x0];
	s4 =	simm.s32 $0x1;
	s2 =	sshll.u32 s1, $0x7  }
0x6: {  	s7 =	simm.s32 $0x2;
	s12 =	simm.s32 $0x0;
	s1 =	ssub.s32 $0x1000, s2  }
0x7: {  	s8 =	simm.s32 $0x8000;
	s13 =	simm.s32 $0x0;
	s3 =	sand.u32 $0xF80, s1  }
0x8: {  	s9 =	simm.s32 $0x0;
	s5 =	sshrl.u32 s1, $0xC;
	p0 =	sne.s32 s3, $0x0  }
.Ltmp0:
0x9: {  	s1 =	rddreg [dreg:$0x2];
	s4 =	simm.s32 @!p0 $0x0;
	(pc) =	sbr.rel .LBB1_1-.Ltmp0, $4  }
0xa: {  	s11 =	simm.s32 $0x0;
	s3 =	rddreg [dreg:$0x1];
	s5 =	sadd.s32 s4, s5  }
0xb: {  	_ =	strace $0x8000004D;
	s4 =	simm.s32 $0x1;
	s5 =	smul.u32 $0x32, s5  }
0xc: {  	s6 =	sadd.s32 $0x1000, s6;
	s10 =	smov.u32 s2;
	[sflag:s4] =	ssyncpa.u1 $0x0  }
0xd: {  	p0 =	por $0x0, $0x0;
	[sflag:s7] =	ssyncpa.u1 $0x0;
	s7 =	sor.u32 $0x1, s5  }
.LBB1_4:
0xe: {  	s16 =	sshll.u32 s13, $0x3;
	s17 =	sand.u32 $0x78, s13  }
0xf: {  	s30 =	sand.u32 $0x7E00, s13;
	s12 =	sshll.u32 s12, $0xF;
	s16 =	sand.u32 $0xC00, s16  }
0x10: {  	[tilespmem:s15+$0x810 ss:$0x81] =	vst.msk $0xffff, v2;
	s31 =	sand.u32 $0x7, s13;
	s16 =	sor.u32 s17, s16;
	s17 =	sadd.s32 s3, s30  }
0x11: {  	[tilespmem:s15+$0x1020 ss:$0x81] =	vst.msk $0xffff, v0;
	s13 =	sshll.u32 s31, $0x12;
	s12 =	sadd.s32 s12, s17;
	s16 =	sshrl.u32 s16, $0x3  }
0x12: {  	[tilespmem:s15+$0x0 ss:$0x81] =	vst.msk $0xffff, v1;
	s13 =	sor.u32 $0x400, s13;
	s12 =	sadd.s32 s16, s12  }
0x13: {  	[hbm4b:s12+s13] =	stream.strided.scatter [tilespmem:s14], [sflag:$0x2], $0x2000, s8, s13, $0x20;
	[tilespmem:$0x8080] =	vst v63  }
.LBB1_5:
0x14: {  	s14 =	sadd.s32 $0x1, s9  }
0x15: {  	s12 =	sadd.s32 $0x1000, s10;
	s16 =	smov.u32 s10;
	p2 =	sgt.s32 s14, $0x31  }
0x16: {  	s16 =	smov.u32 @p2 s12  }
0x17: {  	s14 =	simm.s32 @p2 $0x0;
	p2 =	sgt.s32 s16, $0xFFF  }
0x18: {  	s16 =	smov.u32 @p2 s2;
	p2 =	sne.s32 s11, s7  }
.Ltmp1:
0x19: {  	p1 =	slt.u32 s11, $0x2;
	(pc) =	sbr.rel @!p2 .LBB1_6-.Ltmp1, $4  }
0x1a: {  	s15 =	simm.s32 @!p1 $0x2  }
0x1b: {  	s13 =	smov.u32 s10;
	p0 =	por !p0, !p0;
	_ =	swait.ge @!p1 [sflag:s15], $0x2000  }
0x1c: {  	s12 =	smov.u32 s9;
	[sflag:s15] =	ssyncset.done @!p1 $0x0;
	s9 =	smov.u32 s14  }
0x1d: {  	s11 =	sadd.s32 $0x1, s11;
	[sflag:s15] =	ssyncadd.s32 @!p1 $0xFFFFE000;
	s10 =	smov.u32 s16  }
.LBB1_1:
0x1e: {  	p1 =	sge.u32 s11, s5  }
0x1f: {  	s14 =	sand.u32 @!p1 $0x1FFFFFF, s9  }
0x20: {  	s15 =	smulhi.u32 @!p1 $0x4924925, s14;
	_ =	sdelay $0x1  }
0x21: {  	s15 =	smul.u32 @!p1 $0x38, s15  }
0x22: {  	s16 =	sxor.u32 @!p1 $0xFFFFFFFF, s11;
	s17 =	smul.u32 @!p1 $0x380, s10  }
0x23: {  	s31 =	sadd.s32 $0xFFFFFFFF, s11;
	s16 =	sshll.u32 @!p1 s16, $0xD;
	s14 =	ssub.s32 @!p1 s14, s15  }
0x24: {  	s15 =	sand.u32 @!p1 $0x2000, s16;
	s16 =	sadd.s32 @!p1 s6, s17;
	s14 =	sshll.u32 @!p1 s14, $0x4  }
0x25: {  	s17 =	simm.s32 @!p1 $0x1C00;
	s14 =	sadd.s32 @!p1 s14, s16;
	s16 =	simm.s32 @!p1 $0x40  }
0x26: {  	[tilespmem:s15], [sflag:$0x1] =	stream.strided.gather @!p1 [hbm4b:s14+s16], $0x2000, s17, s16, $0x38;
	[tilespmem:$0x8080] =	vst v63  }
0x27: {  	p1 =	sge.u32 s31, s5  }
.Ltmp2:
0x28: {  	_ = 	snop;
	(pc) =	sbr.rel @p1 .LBB1_5-.Ltmp2, $1  }
0x29: {  	_ =	sdelay $0x3  }
0x2a: {  	s14 =	simm.s32 $0x1  }
0x2b: {  	_ =	swait.ge [sflag:s4], $0x2000;
	s14 =	simm.s32 @!p0 $0x0  }
0x2c: {  	[sflag:s4] =	ssyncset.done $0x0;
	s15 =	sshll.u32 s14, $0xD  }
0x2d: {  	[sflag:s4] =	ssyncadd.s32 $0xFFFFE000;
	s18 =	sor.u32 $0x20, s15  }
0x2e: {  	s14 =	smul.u32 $0x8100, s14;
	v3 =	vld [tilespmem:s18+$0x10]  }
0x2f: {  	s30 =	sand.u32 $0x1, s11;
	v2 =	vld [tilespmem:s18+$0xFFFFFFF0]  }
0x30: {  	s15 =	smul.u32 $0x8100, s30;
	s14 =	sshrl.u32 s14, $0x2;
	v0 =	vld [tilespmem:s18+$0x0]  }
0x31: {  	v1 =	vld [tilespmem:s18+$0xFFFFFFE0];
	s16 =	sor.u32 $0x4000, s14  }
0x32: {  	s31 =	sshrl.u32 s15, $0x2;
	s15 =	sadd.s32 $0x0, s16  }
0x33: {  	s17 =	simm.s32 $0x4;
	s18 =	sadd.s32 $0x40, s18;
	s14 =	sor.u32 $0x4000, s31;
	[tilespmem:s15+$0x1830 ss:$0x81] =	vst.msk $0xffff, v3  }
.LBB1_3:
0x34: {  	v3 =	vld [tilespmem:s18+$0x10];
	p1 =	sne.s32 s17, $0x1FC;
	[tilespmem:s15+$0x810 ss:$0x81] =	vst.msk $0xffff, v2;
	s19 =	smov.u32 s17;
	s17 =	sadd.s32 $0x4, s17  }
.Ltmp3:
0x35: {  	v2 =	vld [tilespmem:s18+$0xFFFFFFF0];
	[tilespmem:s15+$0x1020 ss:$0x81] =	vst.msk $0xffff, v0;
	(pc) =	sbr.rel @p1 .LBB1_3-.Ltmp3, $4  }
0x36: {  	v0 =	vld [tilespmem:s18+$0x0];
	[tilespmem:s15+$0x0 ss:$0x81] =	vst.msk $0xffff, v1  }
0x37: {  	s15 =	sshra.s32 s19, $0x2;
	v1 =	vld [tilespmem:s18+$0xFFFFFFE0]  }
0x38: {  	s15 =	sadd.s32 s15, s16  }
0x39: {  	s18 =	sadd.s32 $0x40, s18;
	[tilespmem:s15+$0x1830 ss:$0x81] =	vst.msk $0xffff, v3  }
.Ltmp4:
0x3a: {  	_ = 	snop;
	(pc) =	sbr.rel .LBB1_4-.Ltmp4, $1  }
0x3b: {  	_ =	sdelay $0x3  }
.LBB1_6:
0x3c: {  	_ =	sfence.sel $0x180000  }
0x3d: {  	s2 =	simm.s32 $0x1;
	[bflag:$0x0] =	sbarrier.arrive $0xFFFF  }
0x3e: {  	s31 =	simm.s32 $0x2;
	[sflag:s2] =	ssyncpa.u1 $0x1  }
0x3f: {  	[sflag:s31] =	ssyncpa.u1 $0x1  }
0x40: {  	p0 =	sne.s32 s0, $0x0;
	_ =	strace $0x9000004D  }
0x41: {  	s0 =	sadd.s32 @!p0 $0x100000, s1;
	[bflag:$0x2] =	sbarrier.arrive $0xFFFF  }
0x42: {  	[sflag:s0] =	ssyncadd.tile.s32 @!p0 $0x1;
	_ =	shalt  }
.Lfunc_end1:
_tile_overlayer_lowered:
.L_overlay_start_2:
0x43: {  	(tag) =	ssettag $0x2  }
0x44: {  	s0 =	rddreg [dreg:$0x0];
	s2 =	stileid.u32  }
0x45: {  	s1 =	rddreg [dreg:$0x1];
	p0 =	sne.s32 s2, $0x0  }
0x46: {  	s3 =	rddreg [dreg:$0x2];
	[bflag:$0x3] =	sbarrier.arrive $0xFFFF;
	s2 =	simm.s32 @!p0 $0x1C01  }
0x47: {  	[timem:s3], [sflag:s2] =	dma.local @!p0 [hbm:s0], s1  }
0x48: {  	s0 =	simm.s32 @!p0 $0x1  }
0x49: {  	_ =	swait.ge @!p0 [sflag:s0], s1  }
0x4a: {  	s1 =	ssub.s32 @!p0 $0x0, s1;
	[sflag:s0] =	ssyncset.done @!p0 $0x0  }
0x4b: {  	[sflag:s0] =	ssyncadd.s32 @!p0 s1  }
0x4c: {  	[bflag:$0x3] =	sbarrier.arrive $0xFFFF  }
0x4d: {  	_ =	shalt  }

</sc_bundles>
